<compile_context>
chip_gen: v7x
topology: tpu7x:2x2x1
jax: 0.10.2.dev20260603
libtpu: 0.0.44.dev20260713+nightly
codegen_flags: <defaults>
</compile_context>

<pallas_src>
import jax
import jax.numpy as jnp
from jax import lax
from jax.experimental import pallas as pl
from jax.experimental.pallas import tpu as pltpu
from jax.experimental.pallas import tpu_sc as plsc

_HI = jax.lax.Precision.HIGHEST



def _sc_compact_body(adj_hbm, out_hbm, data, ew_buf):
    C = 512
    NV = C // 16
    s_id = lax.axis_index("s")

    @pl.when(s_id < 4)
    def _work():
        g = s_id

        for i in range(NV):
            ew_buf[pl.ds(i * 16, 16)] = jnp.zeros((16,), jnp.float32)

        def emit_row(r, carry):
            def vbody(v, cs):
                xv = data[r, pl.ds(v * 16, 16)]
                m = xv != 0.0
                sel = jnp.where(m, 1, 0).astype(jnp.int32)
                incl = plsc.cumsum(sel)
                idx = jnp.full((16,), cs, jnp.int32) + incl - 1
                valid = jnp.logical_and(m, idx < C)
                plsc.store_scatter(ew_buf, [idx], xv, mask=valid)
                return cs + jnp.sum(sel)
            return lax.fori_loop(0, NV, vbody, carry)

        def wcond(st):
            w, carry = st
            return jnp.logical_and(carry < C, w < 64)

        def wbody(st):
            w, carry = st
            pltpu.sync_copy(adj_hbm.at[g, pl.ds(w * 8, 8)], data)

            def rcond(rst):
                r, rcarry = rst
                return jnp.logical_and(rcarry < C, r < 8)

            def rbody(rst):
                r, rcarry = rst
                return r + 1, emit_row(r, rcarry)

            _, carry = lax.while_loop(rcond, rbody, (0, carry))
            return w + 1, carry

        lax.while_loop(wcond, wbody, (0, 0))
        pltpu.sync_copy(ew_buf, out_hbm.at[g, 0])


def _sc_compact(adjacency_matrix):
    N, C, _ = adjacency_matrix.shape
    mesh = plsc.VectorSubcoreMesh(core_axis_name="c", subcore_axis_name="s", num_cores=1)
    return pl.kernel(
        _sc_compact_body,
        out_type=jax.ShapeDtypeStruct((N, 1, C), jnp.float32),
        mesh=mesh,
        compiler_params=pltpu.CompilerParams(needs_layout_passes=False),
        scratch_types=[
            pltpu.VMEM((8, C), jnp.float32),
            pltpu.VMEM((C,), jnp.float32),
        ],
    )(adjacency_matrix)



def _dot(a, b, dims, prec=jax.lax.Precision.DEFAULT):
    return jax.lax.dot_general(a, b, (dims, ((), ())), precision=prec,
                               preferred_element_type=jnp.float32)


def _binv(M):
    C = M.shape[0]
    ones_col = jnp.ones((C, 1), jnp.float32)
    Be = jnp.round(_dot(M, ones_col, ((0,), (0,)), _HI))
    return jnp.where(Be > 0, 1.0 / Be, 0.0)


def _tca_body(x_ref, adj_ref, w1_ref, p1_ref):
    adj = adj_ref[0]
    xi = x_ref[0]
    M = (adj != 0.0).astype(jnp.float32)
    Binv = _binv(M)
    xl = _dot(xi, w1_ref[...], ((1,), (0,)))
    he = Binv * _dot(M, xl, ((0,), (0,)))
    p1_ref[0] = _dot(M, he, ((1,), (0,)))


def _tcb_body(x_ref, adj_ref, ew_ref, p1_ref, w2_ref, b1_ref, b2_ref, g_ref,
              bt_ref, out_ref):
    adj = adj_ref[0]
    xi = x_ref[0]
    ewr = ew_ref[0]
    M = (adj != 0.0).astype(jnp.float32)
    Binv = _binv(M)
    Dn = _dot(M, ewr, ((1,), (1,)))
    Dinv = jnp.where(Dn > 0, 1.0 / Dn, 0.0)

    h1 = Dinv * p1_ref[0] + b1_ref[...]
    x1 = jax.nn.relu(h1)
    mu = jnp.mean(x1, axis=1, keepdims=True)
    var = jnp.mean((x1 - mu) ** 2, axis=1, keepdims=True)
    x1 = (x1 - mu) / jnp.sqrt(var + 1e-5) * g_ref[...] + bt_ref[...]

    xl = _dot(x1, w2_ref[...], ((1,), (0,)))
    he = Binv * _dot(M, xl, ((0,), (0,)))
    out_ref[0] = Dinv * _dot(M, he, ((1,), (0,))) + b2_ref[...] + xi


def kernel(x, adjacency_matrix, W1, b1, W2, b2, ln_gamma, ln_beta):
    N, C, D = x.shape
    H = W1.shape[1]
    O = W2.shape[1]
    b1r = b1.reshape(1, H)
    b2r = b2.reshape(1, O)
    gr = ln_gamma.reshape(1, H)
    btr = ln_beta.reshape(1, H)

    ew = _sc_compact(adjacency_matrix)

    p1 = pl.pallas_call(
        _tca_body,
        grid=(N,),
        in_specs=[
            pl.BlockSpec((1, C, D), lambda i: (i, 0, 0)),
            pl.BlockSpec((1, C, C), lambda i: (i, 0, 0)),
            pl.BlockSpec((D, H), lambda i: (0, 0)),
        ],
        out_specs=pl.BlockSpec((1, C, H), lambda i: (i, 0, 0)),
        out_shape=jax.ShapeDtypeStruct((N, C, H), jnp.float32),
    )(x, adjacency_matrix, W1)

    return pl.pallas_call(
        _tcb_body,
        grid=(N,),
        in_specs=[
            pl.BlockSpec((1, C, D), lambda i: (i, 0, 0)),
            pl.BlockSpec((1, C, C), lambda i: (i, 0, 0)),
            pl.BlockSpec((1, 1, C), lambda i: (i, 0, 0)),
            pl.BlockSpec((1, C, H), lambda i: (i, 0, 0)),
            pl.BlockSpec((H, O), lambda i: (0, 0)),
            pl.BlockSpec((1, H), lambda i: (0, 0)),
            pl.BlockSpec((1, O), lambda i: (0, 0)),
            pl.BlockSpec((1, H), lambda i: (0, 0)),
            pl.BlockSpec((1, H), lambda i: (0, 0)),
        ],
        out_specs=pl.BlockSpec((1, C, O), lambda i: (i, 0, 0)),
        out_shape=jax.ShapeDtypeStruct((N, C, O), jnp.float32),
    )(x, adjacency_matrix, ew, p1, W2, b1r, b2r, gr, btr)

# --- scband reference (transcript-rebuilt; emitter-appended) ---
"""Pipeline reference for scband-hypergraph-fusion-model-89421219103603 (READ-ONLY COPY).

The authoritative reference and input builder live on the scoring server;
editing this copy changes nothing except your own understanding.
"""

import jax, jax.numpy as jnp
import numpy as np


def _glorot(key, shape):
    limit = (6.0 / (shape[0] + shape[1])) ** 0.5
    return jax.random.uniform(key, shape, jnp.float32, -limit, limit)


def setup_inputs(seed: int = 0) -> dict:
    key = jax.random.key(seed)
    k = jax.random.split(key, 8)
    N, C, D = 4, 512, 128
    H, O = 128, 128
    x = jax.random.normal(k[0], (N, C, D), jnp.float32)
    adjacency_matrix = jax.random.uniform(k[1], (N, C, C), dtype=jnp.float32)
    W1 = _glorot(k[2], (D, H))
    b1 = jnp.zeros((H,), jnp.float32)
    W2 = _glorot(k[3], (H, O))
    b2 = jnp.zeros((O,), jnp.float32)
    ln_gamma = jnp.ones((H,), jnp.float32)
    ln_beta = jnp.zeros((H,), jnp.float32)
    return {"x": x, "adjacency_matrix": adjacency_matrix, "W1": W1, "b1": b1, "W2": W2, "b2": b2, "ln_gamma": ln_gamma, "ln_beta": ln_beta}


def _hypergraph_conv(x, ei0, ei1, ew, mask, W, b, num_nodes, num_edges):
    # Faithful to torch_geometric HypergraphConv (heads=1, no attention, concat=True):
    # x' = lin(x); D = scatter_add(hyperedge_weight[ei1], ei0); B = scatter_add(1, ei1)
    # out = propagate(node->edge, norm=1/B) then propagate(edge->node, norm=1/D); out += bias
    xl = x @ W
    mf = mask.astype(xl.dtype)
    Dn = jnp.zeros((num_nodes,), xl.dtype).at[ei0].add(ew[ei1] * mf)
    Dinv = jnp.where(Dn > 0, 1.0 / Dn, 0.0)
    Be = jnp.zeros((num_edges,), xl.dtype).at[ei1].add(mf)
    Binv = jnp.where(Be > 0, 1.0 / Be, 0.0)
    msg1 = Binv[ei1][:, None] * xl[ei0] * mf[:, None]
    he = jnp.zeros((num_edges, xl.shape[1]), xl.dtype).at[ei1].add(msg1)
    msg2 = Dinv[ei0][:, None] * he[ei1] * mf[:, None]
    out = jnp.zeros((num_nodes, xl.shape[1]), xl.dtype).at[ei0].add(msg2)
    return out + b


def _layernorm(x, gamma, beta, eps=1e-5):
    mu = jnp.mean(x, axis=-1, keepdims=True)
    var = jnp.var(x, axis=-1, keepdims=True)
    return (x - mu) / jnp.sqrt(var + eps) * gamma + beta


def reference(x, adjacency_matrix, W1, b1, W2, b2, ln_gamma, ln_beta):
    N, C, D = x.shape
    rows = jnp.repeat(jnp.arange(C), C)
    cols = jnp.tile(jnp.arange(C), C)
    outs = []
    for i in range(N):
        adj = adjacency_matrix[i]
        flat = adj.reshape(-1)
        mask = flat != 0
        order = jnp.argsort(jnp.logical_not(mask), stable=True)
        ew = flat[order]  # edge_attr, passed as hyperedge_weight in the original
        num_edges = C
        h1 = _hypergraph_conv(x[i], rows, cols, ew, mask, W1, b1, C, num_edges)
        # F.dropout in eval semantics -> identity (deterministic reference)
        x1 = _layernorm(jax.nn.relu(h1), ln_gamma, ln_beta)
        x2 = _hypergraph_conv(x1, rows, cols, ew, mask, W2, b2, C, num_edges)
        outs.append(x2 + x[i])
    return jnp.stack(outs, axis=0)

if __name__ == "__main__":
    import jax
    _d = setup_inputs()
    print(jax.jit(kernel)(*tuple(_d.values())))

</pallas_src>

<mosaic_0001>
#map = affine_map<(d0, d1) -> (0, 0, 0)>
module attributes {stable_mosaic.version = 14 : i64} {
  func.func @_sc_compact_body(%arg0: i32, %arg1: i32, %arg2: memref<4x512x512xf32, #tpu.memory_space<hbm>>, %arg3: memref<4x1x512xf32, #tpu.memory_space<hbm>>, %arg4: memref<8x512xf32, #tpu.memory_space<vmem>>, %arg5: memref<512xf32, #tpu.memory_space<vmem>>) attributes {dimension_semantics = [#tpu.dimension_semantics<core_parallel>, #tpu.dimension_semantics<subcore_parallel>], iteration_bounds = array<i64: 1, 16>, scalar_prefetch = 0 : i64, scratch_operands = 2 : i64, tpu.core_type = #tpu.core_type<sc_vector_subcore>, window_params = [{transform_indices = #map}, {transform_indices = #map}]} {
    %lt3A = arith.constant 4 : i32
    %lt3A_0 = arith.cmpi slt, %arg1, %lt3A : i32
    %convert_element_type3A = arith.extui %lt3A_0 : i1 to i32
    %cond3A = arith.constant 0 : i32
    %cond3A_1 = arith.cmpi ne, %convert_element_type3A, %cond3A : i32
    scf.if %cond3A_1 {
      %broadcast_in_dim3A = arith.constant 0.000000e+00 : f32
      %broadcast_in_dim3A_2 = vector.broadcast %broadcast_in_dim3A : f32 to vector<16xf32>
      %swap3A = arith.constant 0 : index
      %swap3A_3 = tpu.vector_load %arg5[%swap3A] {strides = array<i32>} : memref<512xf32, #tpu.memory_space<vmem>>, vector<16xf32>,
      tpu.vector_store %arg5[%swap3A], %broadcast_in_dim3A_2 {strides = array<i32>} : memref<512xf32, #tpu.memory_space<vmem>>, vector<16xf32>,
      %broadcast_in_dim3A_4 = arith.constant 0.000000e+00 : f32
      %broadcast_in_dim3A_5 = vector.broadcast %broadcast_in_dim3A_4 : f32 to vector<16xf32>
      %swap3A_6 = arith.constant 16 : index
      %swap3A_7 = tpu.vector_load %arg5[%swap3A_6] {strides = array<i32>} : memref<512xf32, #tpu.memory_space<vmem>>, vector<16xf32>,
      tpu.vector_store %arg5[%swap3A_6], %broadcast_in_dim3A_5 {strides = array<i32>} : memref<512xf32, #tpu.memory_space<vmem>>, vector<16xf32>,
      %broadcast_in_dim3A_8 = arith.constant 0.000000e+00 : f32
      %broadcast_in_dim3A_9 = vector.broadcast %broadcast_in_dim3A_8 : f32 to vector<16xf32>
      %swap3A_10 = arith.constant 32 : index
      %swap3A_11 = tpu.vector_load %arg5[%swap3A_10] {strides = array<i32>} : memref<512xf32, #tpu.memory_space<vmem>>, vector<16xf32>,
      tpu.vector_store %arg5[%swap3A_10], %broadcast_in_dim3A_9 {strides = array<i32>} : memref<512xf32, #tpu.memory_space<vmem>>, vector<16xf32>,
      %broadcast_in_dim3A_12 = arith.constant 0.000000e+00 : f32
      %broadcast_in_dim3A_13 = vector.broadcast %broadcast_in_dim3A_12 : f32 to vector<16xf32>
      %swap3A_14 = arith.constant 48 : index
      %swap3A_15 = tpu.vector_load %arg5[%swap3A_14] {strides = array<i32>} : memref<512xf32, #tpu.memory_space<vmem>>, vector<16xf32>,
      tpu.vector_store %arg5[%swap3A_14], %broadcast_in_dim3A_13 {strides = array<i32>} : memref<512xf32, #tpu.memory_space<vmem>>, vector<16xf32>,
      %broadcast_in_dim3A_16 = arith.constant 0.000000e+00 : f32
      %broadcast_in_dim3A_17 = vector.broadcast %broadcast_in_dim3A_16 : f32 to vector<16xf32>
      %swap3A_18 = arith.constant 64 : index
      %swap3A_19 = tpu.vector_load %arg5[%swap3A_18] {strides = array<i32>} : memref<512xf32, #tpu.memory_space<vmem>>, vector<16xf32>,
      tpu.vector_store %arg5[%swap3A_18], %broadcast_in_dim3A_17 {strides = array<i32>} : memref<512xf32, #tpu.memory_space<vmem>>, vector<16xf32>,
      %broadcast_in_dim3A_20 = arith.constant 0.000000e+00 : f32
      %broadcast_in_dim3A_21 = vector.broadcast %broadcast_in_dim3A_20 : f32 to vector<16xf32>
      %swap3A_22 = arith.constant 80 : index
      %swap3A_23 = tpu.vector_load %arg5[%swap3A_22] {strides = array<i32>} : memref<512xf32, #tpu.memory_space<vmem>>, vector<16xf32>,
      tpu.vector_store %arg5[%swap3A_22], %broadcast_in_dim3A_21 {strides = array<i32>} : memref<512xf32, #tpu.memory_space<vmem>>, vector<16xf32>,
      %broadcast_in_dim3A_24 = arith.constant 0.000000e+00 : f32
      %broadcast_in_dim3A_25 = vector.broadcast %broadcast_in_dim3A_24 : f32 to vector<16xf32>
      %swap3A_26 = arith.constant 96 : index
      %swap3A_27 = tpu.vector_load %arg5[%swap3A_26] {strides = array<i32>} : memref<512xf32, #tpu.memory_space<vmem>>, vector<16xf32>,
      tpu.vector_store %arg5[%swap3A_26], %broadcast_in_dim3A_25 {strides = array<i32>} : memref<512xf32, #tpu.memory_space<vmem>>, vector<16xf32>,
      %broadcast_in_dim3A_28 = arith.constant 0.000000e+00 : f32
      %broadcast_in_dim3A_29 = vector.broadcast %broadcast_in_dim3A_28 : f32 to vector<16xf32>
      %swap3A_30 = arith.constant 112 : index
      %swap3A_31 = tpu.vector_load %arg5[%swap3A_30] {strides = array<i32>} : memref<512xf32, #tpu.memory_space<vmem>>, vector<16xf32>,
      tpu.vector_store %arg5[%swap3A_30], %broadcast_in_dim3A_29 {strides = array<i32>} : memref<512xf32, #tpu.memory_space<vmem>>, vector<16xf32>,
      %broadcast_in_dim3A_32 = arith.constant 0.000000e+00 : f32
      %broadcast_in_dim3A_33 = vector.broadcast %broadcast_in_dim3A_32 : f32 to vector<16xf32>
      %swap3A_34 = arith.constant 128 : index
      %swap3A_35 = tpu.vector_load %arg5[%swap3A_34] {strides = array<i32>} : memref<512xf32, #tpu.memory_space<vmem>>, vector<16xf32>,
      tpu.vector_store %arg5[%swap3A_34], %broadcast_in_dim3A_33 {strides = array<i32>} : memref<512xf32, #tpu.memory_space<vmem>>, vector<16xf32>,
      %broadcast_in_dim3A_36 = arith.constant 0.000000e+00 : f32
      %broadcast_in_dim3A_37 = vector.broadcast %broadcast_in_dim3A_36 : f32 to vector<16xf32>
      %swap3A_38 = arith.constant 144 : index
      %swap3A_39 = tpu.vector_load %arg5[%swap3A_38] {strides = array<i32>} : memref<512xf32, #tpu.memory_space<vmem>>, vector<16xf32>,
      tpu.vector_store %arg5[%swap3A_38], %broadcast_in_dim3A_37 {strides = array<i32>} : memref<512xf32, #tpu.memory_space<vmem>>, vector<16xf32>,
      %broadcast_in_dim3A_40 = arith.constant 0.000000e+00 : f32
      %broadcast_in_dim3A_41 = vector.broadcast %broadcast_in_dim3A_40 : f32 to vector<16xf32>
      %swap3A_42 = arith.constant 160 : index
      %swap3A_43 = tpu.vector_load %arg5[%swap3A_42] {strides = array<i32>} : memref<512xf32, #tpu.memory_space<vmem>>, vector<16xf32>,
      tpu.vector_store %arg5[%swap3A_42], %broadcast_in_dim3A_41 {strides = array<i32>} : memref<512xf32, #tpu.memory_space<vmem>>, vector<16xf32>,
      %broadcast_in_dim3A_44 = arith.constant 0.000000e+00 : f32
      %broadcast_in_dim3A_45 = vector.broadcast %broadcast_in_dim3A_44 : f32 to vector<16xf32>
      %swap3A_46 = arith.constant 176 : index
      %swap3A_47 = tpu.vector_load %arg5[%swap3A_46] {strides = array<i32>} : memref<512xf32, #tpu.memory_space<vmem>>, vector<16xf32>,
      tpu.vector_store %arg5[%swap3A_46], %broadcast_in_dim3A_45 {strides = array<i32>} : memref<512xf32, #tpu.memory_space<vmem>>, vector<16xf32>,
      %broadcast_in_dim3A_48 = arith.constant 0.000000e+00 : f32
      %broadcast_in_dim3A_49 = vector.broadcast %broadcast_in_dim3A_48 : f32 to vector<16xf32>
      %swap3A_50 = arith.constant 192 : index
      %swap3A_51 = tpu.vector_load %arg5[%swap3A_50] {strides = array<i32>} : memref<512xf32, #tpu.memory_space<vmem>>, vector<16xf32>,
      tpu.vector_store %arg5[%swap3A_50], %broadcast_in_dim3A_49 {strides = array<i32>} : memref<512xf32, #tpu.memory_space<vmem>>, vector<16xf32>,
      %broadcast_in_dim3A_52 = arith.constant 0.000000e+00 : f32
      %broadcast_in_dim3A_53 = vector.broadcast %broadcast_in_dim3A_52 : f32 to vector<16xf32>
      %swap3A_54 = arith.constant 208 : index
      %swap3A_55 = tpu.vector_load %arg5[%swap3A_54] {strides = array<i32>} : memref<512xf32, #tpu.memory_space<vmem>>, vector<16xf32>,
      tpu.vector_store %arg5[%swap3A_54], %broadcast_in_dim3A_53 {strides = array<i32>} : memref<512xf32, #tpu.memory_space<vmem>>, vector<16xf32>,
      %broadcast_in_dim3A_56 = arith.constant 0.000000e+00 : f32
      %broadcast_in_dim3A_57 = vector.broadcast %broadcast_in_dim3A_56 : f32 to vector<16xf32>
      %swap3A_58 = arith.constant 224 : index
      %swap3A_59 = tpu.vector_load %arg5[%swap3A_58] {strides = array<i32>} : memref<512xf32, #tpu.memory_space<vmem>>, vector<16xf32>,
      tpu.vector_store %arg5[%swap3A_58], %broadcast_in_dim3A_57 {strides = array<i32>} : memref<512xf32, #tpu.memory_space<vmem>>, vector<16xf32>,
      %broadcast_in_dim3A_60 = arith.constant 0.000000e+00 : f32
      %broadcast_in_dim3A_61 = vector.broadcast %broadcast_in_dim3A_60 : f32 to vector<16xf32>
      %swap3A_62 = arith.constant 240 : index
      %swap3A_63 = tpu.vector_load %arg5[%swap3A_62] {strides = array<i32>} : memref<512xf32, #tpu.memory_space<vmem>>, vector<16xf32>,
      tpu.vector_store %arg5[%swap3A_62], %broadcast_in_dim3A_61 {strides = array<i32>} : memref<512xf32, #tpu.memory_space<vmem>>, vector<16xf32>,
      %broadcast_in_dim3A_64 = arith.constant 0.000000e+00 : f32
      %broadcast_in_dim3A_65 = vector.broadcast %broadcast_in_dim3A_64 : f32 to vector<16xf32>
      %swap3A_66 = arith.constant 256 : index
      %swap3A_67 = tpu.vector_load %arg5[%swap3A_66] {strides = array<i32>} : memref<512xf32, #tpu.memory_space<vmem>>, vector<16xf32>,
      tpu.vector_store %arg5[%swap3A_66], %broadcast_in_dim3A_65 {strides = array<i32>} : memref<512xf32, #tpu.memory_space<vmem>>, vector<16xf32>,
      %broadcast_in_dim3A_68 = arith.constant 0.000000e+00 : f32
      %broadcast_in_dim3A_69 = vector.broadcast %broadcast_in_dim3A_68 : f32 to vector<16xf32>
      %swap3A_70 = arith.constant 272 : index
      %swap3A_71 = tpu.vector_load %arg5[%swap3A_70] {strides = array<i32>} : memref<512xf32, #tpu.memory_space<vmem>>, vector<16xf32>,
      tpu.vector_store %arg5[%swap3A_70], %broadcast_in_dim3A_69 {strides = array<i32>} : memref<512xf32, #tpu.memory_space<vmem>>, vector<16xf32>,
      %broadcast_in_dim3A_72 = arith.constant 0.000000e+00 : f32
      %broadcast_in_dim3A_73 = vector.broadcast %broadcast_in_dim3A_72 : f32 to vector<16xf32>
      %swap3A_74 = arith.constant 288 : index
      %swap3A_75 = tpu.vector_load %arg5[%swap3A_74] {strides = array<i32>} : memref<512xf32, #tpu.memory_space<vmem>>, vector<16xf32>,
      tpu.vector_store %arg5[%swap3A_74], %broadcast_in_dim3A_73 {strides = array<i32>} : memref<512xf32, #tpu.memory_space<vmem>>, vector<16xf32>,
      %broadcast_in_dim3A_76 = arith.constant 0.000000e+00 : f32
      %broadcast_in_dim3A_77 = vector.broadcast %broadcast_in_dim3A_76 : f32 to vector<16xf32>
      %swap3A_78 = arith.constant 304 : index
      %swap3A_79 = tpu.vector_load %arg5[%swap3A_78] {strides = array<i32>} : memref<512xf32, #tpu.memory_space<vmem>>, vector<16xf32>,
      tpu.vector_store %arg5[%swap3A_78], %broadcast_in_dim3A_77 {strides = array<i32>} : memref<512xf32, #tpu.memory_space<vmem>>, vector<16xf32>,
      %broadcast_in_dim3A_80 = arith.constant 0.000000e+00 : f32
      %broadcast_in_dim3A_81 = vector.broadcast %broadcast_in_dim3A_80 : f32 to vector<16xf32>
      %swap3A_82 = arith.constant 320 : index
      %swap3A_83 = tpu.vector_load %arg5[%swap3A_82] {strides = array<i32>} : memref<512xf32, #tpu.memory_space<vmem>>, vector<16xf32>,
      tpu.vector_store %arg5[%swap3A_82], %broadcast_in_dim3A_81 {strides = array<i32>} : memref<512xf32, #tpu.memory_space<vmem>>, vector<16xf32>,
      %broadcast_in_dim3A_84 = arith.constant 0.000000e+00 : f32
      %broadcast_in_dim3A_85 = vector.broadcast %broadcast_in_dim3A_84 : f32 to vector<16xf32>
      %swap3A_86 = arith.constant 336 : index
      %swap3A_87 = tpu.vector_load %arg5[%swap3A_86] {strides = array<i32>} : memref<512xf32, #tpu.memory_space<vmem>>, vector<16xf32>,
      tpu.vector_store %arg5[%swap3A_86], %broadcast_in_dim3A_85 {strides = array<i32>} : memref<512xf32, #tpu.memory_space<vmem>>, vector<16xf32>,
      %broadcast_in_dim3A_88 = arith.constant 0.000000e+00 : f32
      %broadcast_in_dim3A_89 = vector.broadcast %broadcast_in_dim3A_88 : f32 to vector<16xf32>
      %swap3A_90 = arith.constant 352 : index
      %swap3A_91 = tpu.vector_load %arg5[%swap3A_90] {strides = array<i32>} : memref<512xf32, #tpu.memory_space<vmem>>, vector<16xf32>,
      tpu.vector_store %arg5[%swap3A_90], %broadcast_in_dim3A_89 {strides = array<i32>} : memref<512xf32, #tpu.memory_space<vmem>>, vector<16xf32>,
      %broadcast_in_dim3A_92 = arith.constant 0.000000e+00 : f32
      %broadcast_in_dim3A_93 = vector.broadcast %broadcast_in_dim3A_92 : f32 to vector<16xf32>
      %swap3A_94 = arith.constant 368 : index
      %swap3A_95 = tpu.vector_load %arg5[%swap3A_94] {strides = array<i32>} : memref<512xf32, #tpu.memory_space<vmem>>, vector<16xf32>,
      tpu.vector_store %arg5[%swap3A_94], %broadcast_in_dim3A_93 {strides = array<i32>} : memref<512xf32, #tpu.memory_space<vmem>>, vector<16xf32>,
      %broadcast_in_dim3A_96 = arith.constant 0.000000e+00 : f32
      %broadcast_in_dim3A_97 = vector.broadcast %broadcast_in_dim3A_96 : f32 to vector<16xf32>
      %swap3A_98 = arith.constant 384 : index
      %swap3A_99 = tpu.vector_load %arg5[%swap3A_98] {strides = array<i32>} : memref<512xf32, #tpu.memory_space<vmem>>, vector<16xf32>,
      tpu.vector_store %arg5[%swap3A_98], %broadcast_in_dim3A_97 {strides = array<i32>} : memref<512xf32, #tpu.memory_space<vmem>>, vector<16xf32>,
      %broadcast_in_dim3A_100 = arith.constant 0.000000e+00 : f32
      %broadcast_in_dim3A_101 = vector.broadcast %broadcast_in_dim3A_100 : f32 to vector<16xf32>
      %swap3A_102 = arith.constant 400 : index
      %swap3A_103 = tpu.vector_load %arg5[%swap3A_102] {strides = array<i32>} : memref<512xf32, #tpu.memory_space<vmem>>, vector<16xf32>,
      tpu.vector_store %arg5[%swap3A_102], %broadcast_in_dim3A_101 {strides = array<i32>} : memref<512xf32, #tpu.memory_space<vmem>>, vector<16xf32>,
      %broadcast_in_dim3A_104 = arith.constant 0.000000e+00 : f32
      %broadcast_in_dim3A_105 = vector.broadcast %broadcast_in_dim3A_104 : f32 to vector<16xf32>
      %swap3A_106 = arith.constant 416 : index
      %swap3A_107 = tpu.vector_load %arg5[%swap3A_106] {strides = array<i32>} : memref<512xf32, #tpu.memory_space<vmem>>, vector<16xf32>,
      tpu.vector_store %arg5[%swap3A_106], %broadcast_in_dim3A_105 {strides = array<i32>} : memref<512xf32, #tpu.memory_space<vmem>>, vector<16xf32>,
      %broadcast_in_dim3A_108 = arith.constant 0.000000e+00 : f32
      %broadcast_in_dim3A_109 = vector.broadcast %broadcast_in_dim3A_108 : f32 to vector<16xf32>
      %swap3A_110 = arith.constant 432 : index
      %swap3A_111 = tpu.vector_load %arg5[%swap3A_110] {strides = array<i32>} : memref<512xf32, #tpu.memory_space<vmem>>, vector<16xf32>,
      tpu.vector_store %arg5[%swap3A_110], %broadcast_in_dim3A_109 {strides = array<i32>} : memref<512xf32, #tpu.memory_space<vmem>>, vector<16xf32>,
      %broadcast_in_dim3A_112 = arith.constant 0.000000e+00 : f32
      %broadcast_in_dim3A_113 = vector.broadcast %broadcast_in_dim3A_112 : f32 to vector<16xf32>
      %swap3A_114 = arith.constant 448 : index
      %swap3A_115 = tpu.vector_load %arg5[%swap3A_114] {strides = array<i32>} : memref<512xf32, #tpu.memory_space<vmem>>, vector<16xf32>,
      tpu.vector_store %arg5[%swap3A_114], %broadcast_in_dim3A_113 {strides = array<i32>} : memref<512xf32, #tpu.memory_space<vmem>>, vector<16xf32>,
      %broadcast_in_dim3A_116 = arith.constant 0.000000e+00 : f32
      %broadcast_in_dim3A_117 = vector.broadcast %broadcast_in_dim3A_116 : f32 to vector<16xf32>
      %swap3A_118 = arith.constant 464 : index
      %swap3A_119 = tpu.vector_load %arg5[%swap3A_118] {strides = array<i32>} : memref<512xf32, #tpu.memory_space<vmem>>, vector<16xf32>,
      tpu.vector_store %arg5[%swap3A_118], %broadcast_in_dim3A_117 {strides = array<i32>} : memref<512xf32, #tpu.memory_space<vmem>>, vector<16xf32>,
      %broadcast_in_dim3A_120 = arith.constant 0.000000e+00 : f32
      %broadcast_in_dim3A_121 = vector.broadcast %broadcast_in_dim3A_120 : f32 to vector<16xf32>
      %swap3A_122 = arith.constant 480 : index
      %swap3A_123 = tpu.vector_load %arg5[%swap3A_122] {strides = array<i32>} : memref<512xf32, #tpu.memory_space<vmem>>, vector<16xf32>,
      tpu.vector_store %arg5[%swap3A_122], %broadcast_in_dim3A_121 {strides = array<i32>} : memref<512xf32, #tpu.memory_space<vmem>>, vector<16xf32>,
      %broadcast_in_dim3A_124 = arith.constant 0.000000e+00 : f32
      %broadcast_in_dim3A_125 = vector.broadcast %broadcast_in_dim3A_124 : f32 to vector<16xf32>
      %swap3A_126 = arith.constant 496 : index
      %swap3A_127 = tpu.vector_load %arg5[%swap3A_126] {strides = array<i32>} : memref<512xf32, #tpu.memory_space<vmem>>, vector<16xf32>,
      tpu.vector_store %arg5[%swap3A_126], %broadcast_in_dim3A_125 {strides = array<i32>} : memref<512xf32, #tpu.memory_space<vmem>>, vector<16xf32>,
      %while3A = arith.constant 0 : i32
      %while3A_128 = arith.constant 0 : i32
      %while3A_129:2 = scf.while (%while3A_130 = %while3A, %while3A_131 = %while3A_128) : (i32, i32) -> (i32, i32) {
        %lt3A_132 = arith.constant 512 : i32
        %lt3A_133 = arith.cmpi slt, %while3A_131, %lt3A_132 : i32
        %lt3A_134 = arith.constant 64 : i32
        %lt3A_135 = arith.cmpi slt, %while3A_130, %lt3A_134 : i32
        %and3A = arith.andi %lt3A_133, %lt3A_135 : i1
        scf.condition(%and3A) %while3A_130, %while3A_131 : i32, i32
      } do {
      ^bb0(%while3A_130: i32, %while3A_131: i32):
        %mul3A = arith.constant 8 : i32
        %mul3A_132 = arith.muli %while3A_130, %mul3A : i32
        "tpu.region"() ({
          %run_scoped3A_136 = tpu.sem_alloc : memref<!tpu.dma_semaphore, #tpu.memory_space<semaphore_mem>>
          %dma_start3A = arith.constant 0 : i32
          %dma_start3A_137 = tpu.memref_slice %arg2[%arg1, %mul3A_132, %dma_start3A] : memref<4x512x512xf32, #tpu.memory_space<hbm>> -> memref<1x8x512xf32, #tpu.memory_space<hbm>>
          %dma_start3A_138 = tpu.memref_squeeze %dma_start3A_137 : memref<1x8x512xf32, #tpu.memory_space<hbm>> -> memref<8x512xf32, #tpu.memory_space<hbm>>
          %dma_start3A_139 = arith.constant 0 : i32
          %dma_start3A_140 = tpu.memref_slice %arg2[%arg1, %mul3A_132, %dma_start3A_139] : memref<4x512x512xf32, #tpu.memory_space<hbm>> -> memref<1x8x512xf32, #tpu.memory_space<hbm>>
          %dma_start3A_141 = tpu.memref_squeeze %dma_start3A_140 : memref<1x8x512xf32, #tpu.memory_space<hbm>> -> memref<8x512xf32, #tpu.memory_space<hbm>>
          tpu.enqueue_dma source(%dma_start3A_141 : memref<8x512xf32, #tpu.memory_space<hbm>>) target(%arg4 : memref<8x512xf32, #tpu.memory_space<vmem>>) target_semaphore(%run_scoped3A_136 : memref<!tpu.dma_semaphore, #tpu.memory_space<semaphore_mem>>)
          %dma_wait3A = arith.constant 0 : i32
          %dma_wait3A_142 = tpu.memref_slice %arg2[%arg1, %mul3A_132, %dma_wait3A] : memref<4x512x512xf32, #tpu.memory_space<hbm>> -> memref<1x8x512xf32, #tpu.memory_space<hbm>>
          %dma_wait3A_143 = tpu.memref_squeeze %dma_wait3A_142 : memref<1x8x512xf32, #tpu.memory_space<hbm>> -> memref<8x512xf32, #tpu.memory_space<hbm>>
          %dma_wait3A_144 = arith.constant 0 : i32
          %dma_wait3A_145 = tpu.memref_slice %arg2[%arg1, %mul3A_132, %dma_wait3A_144] : memref<4x512x512xf32, #tpu.memory_space<hbm>> -> memref<1x8x512xf32, #tpu.memory_space<hbm>>
          %dma_wait3A_146 = tpu.memref_squeeze %dma_wait3A_145 : memref<1x8x512xf32, #tpu.memory_space<hbm>> -> memref<8x512xf32, #tpu.memory_space<hbm>>
          tpu.wait_dma2 semaphore(%run_scoped3A_136 : memref<!tpu.dma_semaphore, #tpu.memory_space<semaphore_mem>>) src(%dma_wait3A_146 : memref<8x512xf32, #tpu.memory_space<hbm>>) dst(%arg4 : memref<8x512xf32, #tpu.memory_space<vmem>>)
          tpu.yield
        }) : () -> ()
        %while3A_133 = arith.constant 0 : i32
        %while3A_134:2 = scf.while (%while3A_136 = %while3A_133, %while3A_137 = %while3A_131) : (i32, i32) -> (i32, i32) {
          %lt3A_138 = arith.constant 512 : i32
          %lt3A_139 = arith.cmpi slt, %while3A_137, %lt3A_138 : i32
          %lt3A_140 = arith.constant 8 : i32
          %lt3A_141 = arith.cmpi slt, %while3A_136, %lt3A_140 : i32
          %and3A = arith.andi %lt3A_139, %lt3A_141 : i1
          scf.condition(%and3A) %while3A_136, %while3A_137 : i32, i32
        } do {
        ^bb0(%while3A_136: i32, %while3A_137: i32):
          %add3A_138 = arith.constant 1 : i32
          %add3A_139 = arith.addi %while3A_136, %add3A_138 : i32
          %scan3A = arith.constant 0 : i32
          %scan3A_140 = arith.constant 32 : i32
          %scan3A_141 = arith.addi %scan3A, %scan3A_140 : i32
          %scan3A_142 = arith.constant 1 : i32
          %scan3A_143 = scf.for %scan3A_145 = %scan3A to %scan3A_141 step %scan3A_142 iter_args(%scan3A_146 = %while3A_137) -> (i32)  : i32 {
            %mul3A_147 = arith.constant 16 : i32
            %mul3A_148 = arith.muli %scan3A_145, %mul3A_147 : i32
            %get3A = arith.index_cast %while3A_136 : i32 to index
            %get3A_149 = arith.index_cast %mul3A_148 : i32 to index
            %get3A_150 = tpu.vector_load %arg4[%get3A, %get3A_149] {strides = array<i32>} : memref<8x512xf32, #tpu.memory_space<vmem>>, vector<16xf32>,
            %ne3A = arith.constant 0.000000e+00 : f32
            %ne3A_151 = vector.broadcast %ne3A : f32 to vector<16xf32>
            %ne3A_152 = arith.cmpf one, %get3A_150, %ne3A_151 : vector<16xf32>
            %jit3A = arith.constant 1 : i32
            %jit3A_153 = arith.constant 0 : i32
            %broadcast_in_dim3A_154 = vector.broadcast %jit3A : i32 to vector<16xi32>
            %broadcast_in_dim3A_155 = vector.broadcast %jit3A_153 : i32 to vector<16xi32>
            %select_n3A = arith.select %ne3A_152, %broadcast_in_dim3A_154, %broadcast_in_dim3A_155 : vector<16xi1>, vector<16xi32>
            %broadcast_in_dim3A_156 = arith.constant true
            %broadcast_in_dim3A_157 = vector.broadcast %broadcast_in_dim3A_156 : i1 to vector<16xi1>
            %masked_cumsum3A = tpu.scan <sum>, %select_n3A masked %broadcast_in_dim3A_157 : vector<16xi32>, vector<16xi1> -> vector<16xi32>
            %broadcast_in_dim3A_158 = vector.broadcast %scan3A_146 : i32 to vector<16xi32>
            %add3A_159 = arith.addi %broadcast_in_dim3A_158, %masked_cumsum3A : vector<16xi32>
            %sub3A = arith.constant 1 : i32
            %sub3A_160 = vector.broadcast %sub3A : i32 to vector<16xi32>
            %sub3A_161 = arith.subi %add3A_159, %sub3A_160 : vector<16xi32>
            %lt3A_162 = arith.constant 512 : i32
            %lt3A_163 = vector.broadcast %lt3A_162 : i32 to vector<16xi32>
            %lt3A_164 = arith.cmpi slt, %sub3A_161, %lt3A_163 : vector<16xi32>
            %and3A = arith.andi %ne3A_152, %lt3A_164 : vector<16xi1>
            tpu.vector_store_idx %arg5[%sub3A_161], %get3A_150 masked %and3A : memref<512xf32, #tpu.memory_space<vmem>>[vector<16xi32>], vector<16xf32>, vector<16xi1>
            %reduce_sum3A = arith.constant true
            %reduce_sum3A_165 = vector.broadcast %reduce_sum3A : i1 to vector<16xi1>
            %reduce_sum3A_166 = tpu.scan <sum>, %select_n3A masked %reduce_sum3A_165 : vector<16xi32>, vector<16xi1> -> vector<16xi32>
            %reduce_sum3A_167 = vector.extract %reduce_sum3A_166[15] : i32 from vector<16xi32>
            %add3A_168 = arith.addi %scan3A_146, %reduce_sum3A_167 : i32
            scf.yield %add3A_168 : i32
          }
          %scan3A_144 = arith.constant 32 : i32
          scf.yield %add3A_139, %scan3A_143 : i32, i32
        }
        %add3A = arith.constant 1 : i32
        %add3A_135 = arith.addi %while3A_130, %add3A : i32
        scf.yield %add3A_135, %while3A_134#1 : i32, i32
      }
      %run_scoped3A = arith.constant 0 : i32
      "tpu.region"() ({
        %run_scoped3A_130 = tpu.sem_alloc : memref<!tpu.dma_semaphore, #tpu.memory_space<semaphore_mem>>
        %dma_start3A = arith.constant 0 : i32
        %dma_start3A_131 = tpu.memref_slice %arg3[%arg1, %run_scoped3A, %dma_start3A] : memref<4x1x512xf32, #tpu.memory_space<hbm>> -> memref<1x1x512xf32, #tpu.memory_space<hbm>>
        %dma_start3A_132 = tpu.memref_squeeze %dma_start3A_131 : memref<1x1x512xf32, #tpu.memory_space<hbm>> -> memref<512xf32, #tpu.memory_space<hbm>>
        %dma_start3A_133 = arith.constant 0 : i32
        %dma_start3A_134 = tpu.memref_slice %arg3[%arg1, %run_scoped3A, %dma_start3A_133] : memref<4x1x512xf32, #tpu.memory_space<hbm>> -> memref<1x1x512xf32, #tpu.memory_space<hbm>>
        %dma_start3A_135 = tpu.memref_squeeze %dma_start3A_134 : memref<1x1x512xf32, #tpu.memory_space<hbm>> -> memref<512xf32, #tpu.memory_space<hbm>>
        tpu.enqueue_dma source(%arg5 : memref<512xf32, #tpu.memory_space<vmem>>) target(%dma_start3A_135 : memref<512xf32, #tpu.memory_space<hbm>>) target_semaphore(%run_scoped3A_130 : memref<!tpu.dma_semaphore, #tpu.memory_space<semaphore_mem>>)
        %dma_wait3A = arith.constant 0 : i32
        %dma_wait3A_136 = tpu.memref_slice %arg3[%arg1, %run_scoped3A, %dma_wait3A] : memref<4x1x512xf32, #tpu.memory_space<hbm>> -> memref<1x1x512xf32, #tpu.memory_space<hbm>>
        %dma_wait3A_137 = tpu.memref_squeeze %dma_wait3A_136 : memref<1x1x512xf32, #tpu.memory_space<hbm>> -> memref<512xf32, #tpu.memory_space<hbm>>
        %dma_wait3A_138 = arith.constant 0 : i32
        %dma_wait3A_139 = tpu.memref_slice %arg3[%arg1, %run_scoped3A, %dma_wait3A_138] : memref<4x1x512xf32, #tpu.memory_space<hbm>> -> memref<1x1x512xf32, #tpu.memory_space<hbm>>
        %dma_wait3A_140 = tpu.memref_squeeze %dma_wait3A_139 : memref<1x1x512xf32, #tpu.memory_space<hbm>> -> memref<512xf32, #tpu.memory_space<hbm>>
        tpu.wait_dma2 semaphore(%run_scoped3A_130 : memref<!tpu.dma_semaphore, #tpu.memory_space<semaphore_mem>>) src(%arg5 : memref<512xf32, #tpu.memory_space<vmem>>) dst(%dma_wait3A_140 : memref<512xf32, #tpu.memory_space<hbm>>)
        tpu.yield
      }) : () -> ()
    } else {
    }
    return
  }
}

module attributes {stable_mosaic.version = 14 : i64} {
  func.func @_tcb_body(%arg0: i32, %arg1: memref<1x512x128xf32, #tpu.memory_space<vmem>>, %arg2: memref<1x512x512xf32, #tpu.memory_space<vmem>>, %arg3: memref<1x1x512xf32, #tpu.memory_space<vmem>>, %arg4: memref<1x512x128xf32, #tpu.memory_space<vmem>>, %arg5: memref<128x128xf32, #tpu.memory_space<vmem>>, %arg6: memref<1x128xf32, #tpu.memory_space<vmem>>, %arg7: memref<1x128xf32, #tpu.memory_space<vmem>>, %arg8: memref<1x128xf32, #tpu.memory_space<vmem>>, %arg9: memref<1x128xf32, #tpu.memory_space<vmem>>, %arg10: memref<1x512x128xf32, #tpu.memory_space<vmem>>) attributes {dimension_semantics = [#tpu.dimension_semantics<arbitrary>], iteration_bounds = array<i64: 4>, scalar_prefetch = 0 : i64, scratch_operands = 0 : i64, tpu.core_type = #tpu.core_type<tc>, window_params = [{transform_indices = @transform_0, window_bounds = array<i64: 1, 512, 128>}, {transform_indices = @transform_1, window_bounds = array<i64: 1, 512, 512>}, {transform_indices = @transform_2, window_bounds = array<i64: 1, 1, 512>}, {transform_indices = @transform_3, window_bounds = array<i64: 1, 512, 128>}, {pipeline_mode = #tpu.pipeline_mode<synchronous>, transform_indices = @transform_4, window_bounds = array<i64: 128, 128>}, {pipeline_mode = #tpu.pipeline_mode<synchronous>, transform_indices = @transform_5, window_bounds = array<i64: 1, 128>}, {pipeline_mode = #tpu.pipeline_mode<synchronous>, transform_indices = @transform_6, window_bounds = array<i64: 1, 128>}, {pipeline_mode = #tpu.pipeline_mode<synchronous>, transform_indices = @transform_7, window_bounds = array<i64: 1, 128>}, {pipeline_mode = #tpu.pipeline_mode<synchronous>, transform_indices = @transform_8, window_bounds = array<i64: 1, 128>}, {transform_indices = @transform_9, window_bounds = array<i64: 1, 512, 128>}]} {
    %get3A = arith.constant 0 : index
    %get3A_0 = arith.constant 0 : index
    %get3A_1 = arith.constant 0 : index
    %get3A_2 = vector.load %arg2[%get3A, %get3A_0, %get3A_1] : memref<1x512x512xf32, #tpu.memory_space<vmem>>, vector<1x512x512xf32>
    %get3A_3 = vector.shape_cast %get3A_2 : vector<1x512x512xf32> to vector<512x512xf32>
    %get3A_4 = arith.constant 0 : index
    %get3A_5 = arith.constant 0 : index
    %get3A_6 = arith.constant 0 : index
    %get3A_7 = vector.load %arg1[%get3A_4, %get3A_5, %get3A_6] : memref<1x512x128xf32, #tpu.memory_space<vmem>>, vector<1x512x128xf32>
    %get3A_8 = vector.shape_cast %get3A_7 : vector<1x512x128xf32> to vector<512x128xf32>
    %get3A_9 = arith.constant 0 : index
    %get3A_10 = arith.constant 0 : index
    %get3A_11 = arith.constant 0 : index
    %get3A_12 = vector.load %arg3[%get3A_9, %get3A_10, %get3A_11] : memref<1x1x512xf32, #tpu.memory_space<vmem>>, vector<1x1x512xf32>
    %get3A_13 = vector.shape_cast %get3A_12 : vector<1x1x512xf32> to vector<1x512xf32>
    %ne3A = arith.constant 0.000000e+00 : f32
    %ne3A_14 = vector.broadcast %ne3A : f32 to vector<512x512xf32>
    %ne3A_15 = arith.cmpf one, %get3A_3, %ne3A_14 : vector<512x512xf32>
    %convert_element_type3A = arith.extui %ne3A_15 : vector<512x512xi1> to vector<512x512xi32>
    %convert_element_type3A_16 = arith.sitofp %convert_element_type3A : vector<512x512xi32> to vector<512x512xf32>
    %broadcast_in_dim3A = arith.constant 1.000000e+00 : f32
    %broadcast_in_dim3A_17 = vector.broadcast %broadcast_in_dim3A : f32 to vector<512x1xf32>
    %dot_general3A = arith.constant dense<0.000000e+00> : vector<512x1xf32>
    %dot_general3A_18 = tpu.matmul %convert_element_type3A_16, %broadcast_in_dim3A_17, %dot_general3A {dimension_numbers = #tpu.dot_dimension_numbers<[0], [0], [1], [1], [0, 1, 1, 1], [], []>, precision = #tpu.contract_precision<fp32>, transpose_lhs_hint = false} : vector<512x512xf32>, vector<512x1xf32>, vector<512x1xf32> -> vector<512x1xf32>
    %round3A = math.roundeven %dot_general3A_18 : vector<512x1xf32>
    %gt3A = arith.constant 0.000000e+00 : f32
    %gt3A_19 = vector.broadcast %gt3A : f32 to vector<512x1xf32>
    %gt3A_20 = arith.cmpf ogt, %round3A, %gt3A_19 : vector<512x1xf32>
    %div3A = arith.constant 1.000000e+00 : f32
    %div3A_21 = vector.broadcast %div3A : f32 to vector<512x1xf32>
    %div3A_22 = arith.divf %div3A_21, %round3A : vector<512x1xf32>
    %jit3A = arith.constant 0.000000e+00 : f32
    %broadcast_in_dim3A_23 = vector.broadcast %jit3A : f32 to vector<512x1xf32>
    %select_n3A = arith.select %gt3A_20, %div3A_22, %broadcast_in_dim3A_23 : vector<512x1xi1>, vector<512x1xf32>
    %dot_general3A_24 = arith.constant dense<0.000000e+00> : vector<512x1xf32>
    %dot_general3A_25 = tpu.matmul %convert_element_type3A_16, %get3A_13, %dot_general3A_24 {dimension_numbers = #tpu.dot_dimension_numbers<[1], [1], [0], [0], [0, 0, 1, 0], [], []>, transpose_lhs_hint = false} : vector<512x512xf32>, vector<1x512xf32>, vector<512x1xf32> -> vector<512x1xf32>
    %gt3A_26 = arith.constant 0.000000e+00 : f32
    %gt3A_27 = vector.broadcast %gt3A_26 : f32 to vector<512x1xf32>
    %gt3A_28 = arith.cmpf ogt, %dot_general3A_25, %gt3A_27 : vector<512x1xf32>
    %div3A_29 = arith.constant 1.000000e+00 : f32
    %div3A_30 = vector.broadcast %div3A_29 : f32 to vector<512x1xf32>
    %div3A_31 = arith.divf %div3A_30, %dot_general3A_25 : vector<512x1xf32>
    %jit3A_32 = arith.constant 0.000000e+00 : f32
    %broadcast_in_dim3A_33 = vector.broadcast %jit3A_32 : f32 to vector<512x1xf32>
    %select_n3A_34 = arith.select %gt3A_28, %div3A_31, %broadcast_in_dim3A_33 : vector<512x1xi1>, vector<512x1xf32>
    %get3A_35 = arith.constant 0 : index
    %get3A_36 = arith.constant 0 : index
    %get3A_37 = arith.constant 0 : index
    %get3A_38 = vector.load %arg4[%get3A_35, %get3A_36, %get3A_37] : memref<1x512x128xf32, #tpu.memory_space<vmem>>, vector<1x512x128xf32>
    %get3A_39 = vector.shape_cast %get3A_38 : vector<1x512x128xf32> to vector<512x128xf32>
    %mul3A = vector.broadcast %select_n3A_34 : vector<512x1xf32> to vector<512x128xf32>
    %mul3A_40 = arith.mulf %mul3A, %get3A_39 : vector<512x128xf32>
    %get3A_41 = arith.constant 0 : index
    %get3A_42 = arith.constant 0 : index
    %get3A_43 = vector.load %arg6[%get3A_41, %get3A_42] : memref<1x128xf32, #tpu.memory_space<vmem>>, vector<1x128xf32>
    %add3A = vector.broadcast %get3A_43 : vector<1x128xf32> to vector<512x128xf32>
    %add3A_44 = arith.addf %mul3A_40, %add3A : vector<512x128xf32>
    %max3A = arith.constant 0.000000e+00 : f32
    %max3A_45 = vector.broadcast %max3A : f32 to vector<512x128xf32>
    %max3A_46 = arith.maximumf %add3A_44, %max3A_45 : vector<512x128xf32>
    %reduce_sum3A = arith.constant dense<0.000000e+00> : vector<512xf32>
    %reduce_sum3A_47 = vector.multi_reduction <add>, %max3A_46, %reduce_sum3A [1] : vector<512x128xf32> to vector<512xf32>
    %broadcast_in_dim3A_48 = vector.shape_cast %reduce_sum3A_47 : vector<512xf32> to vector<512x1xf32>
    %div3A_49 = arith.constant 1.280000e+02 : f32
    %div3A_50 = vector.broadcast %div3A_49 : f32 to vector<512x1xf32>
    %div3A_51 = arith.divf %broadcast_in_dim3A_48, %div3A_50 : vector<512x1xf32>
    %sub3A = vector.broadcast %div3A_51 : vector<512x1xf32> to vector<512x128xf32>
    %sub3A_52 = arith.subf %max3A_46, %sub3A : vector<512x128xf32>
    %integer_pow3A = arith.mulf %sub3A_52, %sub3A_52 : vector<512x128xf32>
    %reduce_sum3A_53 = arith.constant dense<0.000000e+00> : vector<512xf32>
    %reduce_sum3A_54 = vector.multi_reduction <add>, %integer_pow3A, %reduce_sum3A_53 [1] : vector<512x128xf32> to vector<512xf32>
    %broadcast_in_dim3A_55 = vector.shape_cast %reduce_sum3A_54 : vector<512xf32> to vector<512x1xf32>
    %div3A_56 = arith.constant 1.280000e+02 : f32
    %div3A_57 = vector.broadcast %div3A_56 : f32 to vector<512x1xf32>
    %div3A_58 = arith.divf %broadcast_in_dim3A_55, %div3A_57 : vector<512x1xf32>
    %sub3A_59 = vector.broadcast %div3A_51 : vector<512x1xf32> to vector<512x128xf32>
    %sub3A_60 = arith.subf %max3A_46, %sub3A_59 : vector<512x128xf32>
    %add3A_61 = arith.constant 9.99999974E-6 : f32
    %add3A_62 = vector.broadcast %add3A_61 : f32 to vector<512x1xf32>
    %add3A_63 = arith.addf %div3A_58, %add3A_62 : vector<512x1xf32>
    %sqrt3A = math.sqrt %add3A_63 : vector<512x1xf32>
    %div3A_64 = vector.broadcast %sqrt3A : vector<512x1xf32> to vector<512x128xf32>
    %div3A_65 = arith.divf %sub3A_60, %div3A_64 : vector<512x128xf32>
    %get3A_66 = arith.constant 0 : index
    %get3A_67 = arith.constant 0 : index
    %get3A_68 = vector.load %arg8[%get3A_66, %get3A_67] : memref<1x128xf32, #tpu.memory_space<vmem>>, vector<1x128xf32>
    %mul3A_69 = vector.broadcast %get3A_68 : vector<1x128xf32> to vector<512x128xf32>
    %mul3A_70 = arith.mulf %div3A_65, %mul3A_69 : vector<512x128xf32>
    %get3A_71 = arith.constant 0 : index
    %get3A_72 = arith.constant 0 : index
    %get3A_73 = vector.load %arg9[%get3A_71, %get3A_72] : memref<1x128xf32, #tpu.memory_space<vmem>>, vector<1x128xf32>
    %add3A_74 = vector.broadcast %get3A_73 : vector<1x128xf32> to vector<512x128xf32>
    %add3A_75 = arith.addf %mul3A_70, %add3A_74 : vector<512x128xf32>
    %get3A_76 = arith.constant 0 : index
    %get3A_77 = arith.constant 0 : index
    %get3A_78 = vector.load %arg5[%get3A_76, %get3A_77] : memref<128x128xf32, #tpu.memory_space<vmem>>, vector<128x128xf32>
    %dot_general3A_79 = arith.constant dense<0.000000e+00> : vector<512x128xf32>
    %dot_general3A_80 = tpu.matmul %add3A_75, %get3A_78, %dot_general3A_79 {dimension_numbers = #tpu.dot_dimension_numbers<[1], [0], [0], [1], [0, 0, 1, 1], [], []>, transpose_lhs_hint = false} : vector<512x128xf32>, vector<128x128xf32>, vector<512x128xf32> -> vector<512x128xf32>
    %dot_general3A_81 = arith.constant dense<0.000000e+00> : vector<512x128xf32>
    %dot_general3A_82 = tpu.matmul %convert_element_type3A_16, %dot_general3A_80, %dot_general3A_81 {dimension_numbers = #tpu.dot_dimension_numbers<[0], [0], [1], [1], [0, 1, 1, 1], [], []>, transpose_lhs_hint = false} : vector<512x512xf32>, vector<512x128xf32>, vector<512x128xf32> -> vector<512x128xf32>
    %mul3A_83 = vector.broadcast %select_n3A : vector<512x1xf32> to vector<512x128xf32>
    %mul3A_84 = arith.mulf %mul3A_83, %dot_general3A_82 : vector<512x128xf32>
    %dot_general3A_85 = arith.constant dense<0.000000e+00> : vector<512x128xf32>
    %dot_general3A_86 = tpu.matmul %convert_element_type3A_16, %mul3A_84, %dot_general3A_85 {dimension_numbers = #tpu.dot_dimension_numbers<[1], [0], [0], [1], [0, 0, 1, 1], [], []>, transpose_lhs_hint = false} : vector<512x512xf32>, vector<512x128xf32>, vector<512x128xf32> -> vector<512x128xf32>
    %mul3A_87 = vector.broadcast %select_n3A_34 : vector<512x1xf32> to vector<512x128xf32>
    %mul3A_88 = arith.mulf %mul3A_87, %dot_general3A_86 : vector<512x128xf32>
    %get3A_89 = arith.constant 0 : index
    %get3A_90 = arith.constant 0 : index
    %get3A_91 = vector.load %arg7[%get3A_89, %get3A_90] : memref<1x128xf32, #tpu.memory_space<vmem>>, vector<1x128xf32>
    %add3A_92 = vector.broadcast %get3A_91 : vector<1x128xf32> to vector<512x128xf32>
    %add3A_93 = arith.addf %mul3A_88, %add3A_92 : vector<512x128xf32>
    %add3A_94 = arith.addf %add3A_93, %get3A_8 : vector<512x128xf32>
    %swap3A = arith.constant 0 : index
    %swap3A_95 = arith.constant 0 : index
    %swap3A_96 = arith.constant 0 : index
    %swap3A_97 = vector.load %arg10[%swap3A, %swap3A_95, %swap3A_96] : memref<1x512x128xf32, #tpu.memory_space<vmem>>, vector<1x512x128xf32>
    %swap3A_98 = vector.shape_cast %swap3A_97 : vector<1x512x128xf32> to vector<512x128xf32>
    %swap3A_99 = vector.shape_cast %add3A_94 : vector<512x128xf32> to vector<1x512x128xf32>
    tpu.vector_store %arg10[%swap3A, %swap3A_95, %swap3A_96], %swap3A_99 {strides = array<i32>} : memref<1x512x128xf32, #tpu.memory_space<vmem>>, vector<1x512x128xf32>,
    return
  }
  func.func @transform_0(%arg0: i32) -> (i32, i32, i32) {
    %c0_i32 = arith.constant 0 : i32
    %c0_i32_0 = arith.constant 0 : i32
    %c0_i32_1 = arith.constant 0 : i32
    return %arg0, %c0_i32, %c0_i32_0 : i32, i32, i32
  }
  func.func @transform_1(%arg0: i32) -> (i32, i32, i32) {
    %c0_i32 = arith.constant 0 : i32
    %c0_i32_0 = arith.constant 0 : i32
    %c0_i32_1 = arith.constant 0 : i32
    return %arg0, %c0_i32, %c0_i32_0 : i32, i32, i32
  }
  func.func @transform_2(%arg0: i32) -> (i32, i32, i32) {
    %c0_i32 = arith.constant 0 : i32
    %c0_i32_0 = arith.constant 0 : i32
    %c0_i32_1 = arith.constant 0 : i32
    return %arg0, %c0_i32, %c0_i32_0 : i32, i32, i32
  }
  func.func @transform_3(%arg0: i32) -> (i32, i32, i32) {
    %c0_i32 = arith.constant 0 : i32
    %c0_i32_0 = arith.constant 0 : i32
    %c0_i32_1 = arith.constant 0 : i32
    return %arg0, %c0_i32, %c0_i32_0 : i32, i32, i32
  }
  func.func @transform_4(%arg0: i32) -> (i32, i32) {
    %c0_i32 = arith.constant 0 : i32
    %c0_i32_0 = arith.constant 0 : i32
    %c0_i32_1 = arith.constant 0 : i32
    return %c0_i32, %c0_i32_0 : i32, i32
  }
  func.func @transform_5(%arg0: i32) -> (i32, i32) {
    %c0_i32 = arith.constant 0 : i32
    %c0_i32_0 = arith.constant 0 : i32
    %c0_i32_1 = arith.constant 0 : i32
    return %c0_i32, %c0_i32_0 : i32, i32
  }
  func.func @transform_6(%arg0: i32) -> (i32, i32) {
    %c0_i32 = arith.constant 0 : i32
    %c0_i32_0 = arith.constant 0 : i32
    %c0_i32_1 = arith.constant 0 : i32
    return %c0_i32, %c0_i32_0 : i32, i32
  }
  func.func @transform_7(%arg0: i32) -> (i32, i32) {
    %c0_i32 = arith.constant 0 : i32
    %c0_i32_0 = arith.constant 0 : i32
    %c0_i32_1 = arith.constant 0 : i32
    return %c0_i32, %c0_i32_0 : i32, i32
  }
  func.func @transform_8(%arg0: i32) -> (i32, i32) {
    %c0_i32 = arith.constant 0 : i32
    %c0_i32_0 = arith.constant 0 : i32
    %c0_i32_1 = arith.constant 0 : i32
    return %c0_i32, %c0_i32_0 : i32, i32
  }
  func.func @transform_9(%arg0: i32) -> (i32, i32, i32) {
    %c0_i32 = arith.constant 0 : i32
    %c0_i32_0 = arith.constant 0 : i32
    %c0_i32_1 = arith.constant 0 : i32
    return %arg0, %c0_i32, %c0_i32_0 : i32, i32, i32
  }
}

module attributes {stable_mosaic.version = 14 : i64} {
  func.func @_tca_body(%arg0: i32, %arg1: memref<1x512x128xf32, #tpu.memory_space<vmem>>, %arg2: memref<1x512x512xf32, #tpu.memory_space<vmem>>, %arg3: memref<128x128xf32, #tpu.memory_space<vmem>>, %arg4: memref<1x512x128xf32, #tpu.memory_space<vmem>>) attributes {dimension_semantics = [#tpu.dimension_semantics<arbitrary>], iteration_bounds = array<i64: 4>, scalar_prefetch = 0 : i64, scratch_operands = 0 : i64, tpu.core_type = #tpu.core_type<tc>, window_params = [{transform_indices = @transform_0, window_bounds = array<i64: 1, 512, 128>}, {transform_indices = @transform_1, window_bounds = array<i64: 1, 512, 512>}, {pipeline_mode = #tpu.pipeline_mode<synchronous>, transform_indices = @transform_2, window_bounds = array<i64: 128, 128>}, {transform_indices = @transform_3, window_bounds = array<i64: 1, 512, 128>}]} {
    %get3A = arith.constant 0 : index
    %get3A_0 = arith.constant 0 : index
    %get3A_1 = arith.constant 0 : index
    %get3A_2 = vector.load %arg2[%get3A, %get3A_0, %get3A_1] : memref<1x512x512xf32, #tpu.memory_space<vmem>>, vector<1x512x512xf32>
    %get3A_3 = vector.shape_cast %get3A_2 : vector<1x512x512xf32> to vector<512x512xf32>
    %get3A_4 = arith.constant 0 : index
    %get3A_5 = arith.constant 0 : index
    %get3A_6 = arith.constant 0 : index
    %get3A_7 = vector.load %arg1[%get3A_4, %get3A_5, %get3A_6] : memref<1x512x128xf32, #tpu.memory_space<vmem>>, vector<1x512x128xf32>
    %get3A_8 = vector.shape_cast %get3A_7 : vector<1x512x128xf32> to vector<512x128xf32>
    %ne3A = arith.constant 0.000000e+00 : f32
    %ne3A_9 = vector.broadcast %ne3A : f32 to vector<512x512xf32>
    %ne3A_10 = arith.cmpf one, %get3A_3, %ne3A_9 : vector<512x512xf32>
    %convert_element_type3A = arith.extui %ne3A_10 : vector<512x512xi1> to vector<512x512xi32>
    %convert_element_type3A_11 = arith.sitofp %convert_element_type3A : vector<512x512xi32> to vector<512x512xf32>
    %broadcast_in_dim3A = arith.constant 1.000000e+00 : f32
    %broadcast_in_dim3A_12 = vector.broadcast %broadcast_in_dim3A : f32 to vector<512x1xf32>
    %dot_general3A = arith.constant dense<0.000000e+00> : vector<512x1xf32>
    %dot_general3A_13 = tpu.matmul %convert_element_type3A_11, %broadcast_in_dim3A_12, %dot_general3A {dimension_numbers = #tpu.dot_dimension_numbers<[0], [0], [1], [1], [0, 1, 1, 1], [], []>, precision = #tpu.contract_precision<fp32>, transpose_lhs_hint = false} : vector<512x512xf32>, vector<512x1xf32>, vector<512x1xf32> -> vector<512x1xf32>
    %round3A = math.roundeven %dot_general3A_13 : vector<512x1xf32>
    %gt3A = arith.constant 0.000000e+00 : f32
    %gt3A_14 = vector.broadcast %gt3A : f32 to vector<512x1xf32>
    %gt3A_15 = arith.cmpf ogt, %round3A, %gt3A_14 : vector<512x1xf32>
    %div3A = arith.constant 1.000000e+00 : f32
    %div3A_16 = vector.broadcast %div3A : f32 to vector<512x1xf32>
    %div3A_17 = arith.divf %div3A_16, %round3A : vector<512x1xf32>
    %jit3A = arith.constant 0.000000e+00 : f32
    %broadcast_in_dim3A_18 = vector.broadcast %jit3A : f32 to vector<512x1xf32>
    %select_n3A = arith.select %gt3A_15, %div3A_17, %broadcast_in_dim3A_18 : vector<512x1xi1>, vector<512x1xf32>
    %get3A_19 = arith.constant 0 : index
    %get3A_20 = arith.constant 0 : index
    %get3A_21 = vector.load %arg3[%get3A_19, %get3A_20] : memref<128x128xf32, #tpu.memory_space<vmem>>, vector<128x128xf32>
    %dot_general3A_22 = arith.constant dense<0.000000e+00> : vector<512x128xf32>
    %dot_general3A_23 = tpu.matmul %get3A_8, %get3A_21, %dot_general3A_22 {dimension_numbers = #tpu.dot_dimension_numbers<[1], [0], [0], [1], [0, 0, 1, 1], [], []>, transpose_lhs_hint = false} : vector<512x128xf32>, vector<128x128xf32>, vector<512x128xf32> -> vector<512x128xf32>
    %dot_general3A_24 = arith.constant dense<0.000000e+00> : vector<512x128xf32>
    %dot_general3A_25 = tpu.matmul %convert_element_type3A_11, %dot_general3A_23, %dot_general3A_24 {dimension_numbers = #tpu.dot_dimension_numbers<[0], [0], [1], [1], [0, 1, 1, 1], [], []>, transpose_lhs_hint = false} : vector<512x512xf32>, vector<512x128xf32>, vector<512x128xf32> -> vector<512x128xf32>
    %mul3A = vector.broadcast %select_n3A : vector<512x1xf32> to vector<512x128xf32>
    %mul3A_26 = arith.mulf %mul3A, %dot_general3A_25 : vector<512x128xf32>
    %dot_general3A_27 = arith.constant dense<0.000000e+00> : vector<512x128xf32>
    %dot_general3A_28 = tpu.matmul %convert_element_type3A_11, %mul3A_26, %dot_general3A_27 {dimension_numbers = #tpu.dot_dimension_numbers<[1], [0], [0], [1], [0, 0, 1, 1], [], []>, transpose_lhs_hint = false} : vector<512x512xf32>, vector<512x128xf32>, vector<512x128xf32> -> vector<512x128xf32>
    %swap3A = arith.constant 0 : index
    %swap3A_29 = arith.constant 0 : index
    %swap3A_30 = arith.constant 0 : index
    %swap3A_31 = vector.load %arg4[%swap3A, %swap3A_29, %swap3A_30] : memref<1x512x128xf32, #tpu.memory_space<vmem>>, vector<1x512x128xf32>
    %swap3A_32 = vector.shape_cast %swap3A_31 : vector<1x512x128xf32> to vector<512x128xf32>
    %swap3A_33 = vector.shape_cast %dot_general3A_28 : vector<512x128xf32> to vector<1x512x128xf32>
    tpu.vector_store %arg4[%swap3A, %swap3A_29, %swap3A_30], %swap3A_33 {strides = array<i32>} : memref<1x512x128xf32, #tpu.memory_space<vmem>>, vector<1x512x128xf32>,
    return
  }
  func.func @transform_0(%arg0: i32) -> (i32, i32, i32) {
    %c0_i32 = arith.constant 0 : i32
    %c0_i32_0 = arith.constant 0 : i32
    %c0_i32_1 = arith.constant 0 : i32
    return %arg0, %c0_i32, %c0_i32_0 : i32, i32, i32
  }
  func.func @transform_1(%arg0: i32) -> (i32, i32, i32) {
    %c0_i32 = arith.constant 0 : i32
    %c0_i32_0 = arith.constant 0 : i32
    %c0_i32_1 = arith.constant 0 : i32
    return %arg0, %c0_i32, %c0_i32_0 : i32, i32, i32
  }
  func.func @transform_2(%arg0: i32) -> (i32, i32) {
    %c0_i32 = arith.constant 0 : i32
    %c0_i32_0 = arith.constant 0 : i32
    %c0_i32_1 = arith.constant 0 : i32
    return %c0_i32, %c0_i32_0 : i32, i32
  }
  func.func @transform_3(%arg0: i32) -> (i32, i32, i32) {
    %c0_i32 = arith.constant 0 : i32
    %c0_i32_0 = arith.constant 0 : i32
    %c0_i32_1 = arith.constant 0 : i32
    return %arg0, %c0_i32, %c0_i32_0 : i32, i32, i32
  }
}

</mosaic_0001>

<sc_bundles>
// kernel: kernel.5.cloned.1.call-start
scs
__scs_entry_jumppad:
0x0: {  	(pc) =	sbr.rel $0x88, $3  }
0x1: {  	(tag) =	ssettag $0x0;
	lr =	simm.s32 $0x1  }
0x2: {  	[smem:$0x3F99] =	sst lr;
	_ =	strace $0xD0000000  }
0x3: {  	_ = 	snop  }
0x4: {  	_ = 	snop  }
0x5: {  	_ = 	snop  }
0x6: {  	_ = 	snop  }
0x7: {  	_ = 	snop  }
__scs_overlays_trampoline_lowered:
0x8: {  	[smem:$0x3FA8] =	sst s0  }
0x9: {  	[smem:$0x3FA9] =	sst s1  }
0xa: {  	[smem:$0x3FAA] =	sst s2  }
0xb: {  	[smem:$0x3FAB] =	sst s3  }
0xc: {  	[smem:$0x3FAC] =	sst s4  }
0xd: {  	[smem:$0x3FAD] =	sst s5  }
0xe: {  	[smem:$0x3FAE] =	sst s6  }
0xf: {  	[smem:$0x3FAF] =	sst s7  }
0x10: {  	[smem:$0x3FB0] =	sst s8  }
0x11: {  	[smem:$0x3FB1] =	sst s9;
	s0 =	simm.s32 @!p0 $0x0  }
0x12: {  	s1 =	sld [smem:$0x3F97];
	s0 =	simm.s32 @p0 $0x1  }
0x13: {  	[smem:$0x3FB2] =	sst s0;
	s0 =	simm.s32 @!p1 $0x0  }
0x14: {  	s2 =	sld [smem:$0x3F96];
	s0 =	simm.s32 @p1 $0x1  }
0x15: {  	[smem:$0x3FB3] =	sst s0;
	s0 =	simm.s32 @!p2 $0x0  }
0x16: {  	s3 =	sld [smem:$0x3FDB];
	s0 =	simm.s32 @p2 $0x1  }
0x17: {  	s4 =	simm.s32 $0x1BF5;
	[smem:$0x3FB5] =	sst s0  }
0x18: {  	s0 =	sld [smem:$0x3F98];
	_ =	swait.ge [sflag:s4], $0x0  }
0x19: {  	s7 =	sld [smem:$0x3F99]  }
0x1a: {  	s8 =	sadd.s32 $0xFFFFE003, lr  }
0x1b: {  	s9 =	sadd.s32 $0xFFFFFEF7, lr;
	s5 =	simm.s32 $0xFFFFFFFF;
	p2 =	slt.u32 s8, $0xFFFFF086  }
0x1c: {  	p1 =	slt.u32 s9, $0xF7A;
	s5 =	simm.s32 @!p2 $0x0  }
0x1d: {  	s5 =	simm.s32 @p1 $0x1;
	p0 =	seq.s32 s7, s2  }
0x1e: {  	s7 =	smul.u32 @!p0 $0xF7A, s2;
	p2 =	seq.s32 @!p0 s5, $0x0  }
0x1f: {  	s9 =	smul.u32 $0xF7A, s1;
	s8 =	simm.s32 @!p0 $0x1BF5;
	p2 =	por !p2, p0  }
0x20: {  	[sflag:s8] =	ssyncset.s32 @!p0 $0xFFFFF086;
	s6 =	sadd.s32 @!p0 s3, s7;
	s7 =	simm.s32 @!p0 $0x108  }
0x21: {  	s3 =	sadd.s32 s3, s9;
	s6 =	sadd.s32 @!p0 $0x88, s6;
	s7 =	simm.s32 @p2 $0x1082  }
0x22: {  	[simem:s7], [sflag:s8] =	dma.local @!p0 [hbm:s6], $0xF7A  }
0x23: {  	s9 =	sor.u32 $0xD0000000, s2;
	s6 =	simm.s32 $0x108;
	_ =	swait.ge @!p0 [sflag:s8], $0x0  }
0x24: {  	s3 =	sadd.s32 $0x88, s3;
	s6 =	simm.s32 @!p1 $0x1082;
	[sflag:s4] =	ssyncset.s32 $0xFFFFF086  }
0x25: {  	[simem:s6], [sflag:s4] =	dma.local [hbm:s3], $0xF7A  }
0x26: {  	[smem:$0x3F99] =	sst s1;
	(tag) =	ssettag s2;
	_ =	strace s9  }
0x27: {  	s1 =	sld [smem:$0x3FA9]  }
0x28: {  	s2 =	sld [smem:$0x3FAA]  }
0x29: {  	s4 =	sld [smem:$0x3FAC]  }
0x2a: {  	p0 =	seq.s32 s5, $0x0;
	s5 =	sld [smem:$0x3FAD]  }
0x2b: {  	s6 =	sld [smem:$0x3FAE]  }
0x2c: {  	s7 =	sld [smem:$0x3FAF]  }
0x2d: {  	s3 =	simm.s32 $0x108;
	s8 =	sld [smem:$0x3FB0]  }
0x2e: {  	s3 =	simm.s32 @!p0 $0x1082;
	s9 =	sld [smem:$0x3FB1]  }
0x2f: {  	lr =	sadd.s32 s0, s3;
	s0 =	sld [smem:$0x3FA8]  }
0x30: {  	s3 =	sld [smem:$0x3FAB]  }
0x31: {  	[smem:$0x3FB4] =	sst s10  }
0x32: {  	s10 =	sld [smem:$0x3FB2];
	_ =	sdelay $0x3  }
0x33: {  	p0 =	seq.s32 s10, $0x1;
	s10 =	sld [smem:$0x3FB4];
	_ =	sdelay $0x3  }
0x34: {  	[smem:$0x3FB4] =	sst s10  }
0x35: {  	s10 =	sld [smem:$0x3FB3];
	_ =	sdelay $0x3  }
0x36: {  	p1 =	seq.s32 s10, $0x1;
	s10 =	sld [smem:$0x3FB4];
	_ =	sdelay $0x3  }
0x37: {  	[smem:$0x3FB4] =	sst s10  }
0x38: {  	s10 =	sld [smem:$0x3FB5]  }
0x39: {  	_ = 	snop;
	(pc) =	sbr.ind lr, $3  }
0x3a: {  	_ = 	snop  }
0x3b: {  	_ = 	snop  }
0x3c: {  	p2 =	seq.s32 s10, $0x1;
	s10 =	sld [smem:$0x3FB4]  }
0x3d: {  	_ =	shalt  }
0x3e: {  	_ =	shalt  }
0x3f: {  	_ =	shalt  }
0x40: {  	_ =	shalt  }
0x41: {  	_ =	shalt  }
0x42: {  	_ =	shalt  }
0x43: {  	_ =	shalt  }
0x44: {  	_ =	shalt  }
0x45: {  	_ =	shalt  }
0x46: {  	_ =	shalt  }
0x47: {  	_ =	shalt  }
0x48: {  	_ =	shalt  }
0x49: {  	_ =	shalt  }
0x4a: {  	_ =	shalt  }
0x4b: {  	_ =	shalt  }
0x4c: {  	_ =	shalt  }
0x4d: {  	_ =	shalt  }
0x4e: {  	_ =	shalt  }
0x4f: {  	_ =	shalt  }
0x50: {  	_ =	shalt  }
0x51: {  	_ =	shalt  }
0x52: {  	_ =	shalt  }
0x53: {  	_ =	shalt  }
0x54: {  	_ =	shalt  }
0x55: {  	_ =	shalt  }
0x56: {  	_ =	shalt  }
0x57: {  	_ =	shalt  }
0x58: {  	_ =	shalt  }
0x59: {  	_ =	shalt  }
0x5a: {  	_ =	shalt  }
0x5b: {  	_ =	shalt  }
0x5c: {  	_ =	shalt  }
0x5d: {  	_ =	shalt  }
0x5e: {  	_ =	shalt  }
0x5f: {  	_ =	shalt  }
0x60: {  	_ =	shalt  }
0x61: {  	_ =	shalt  }
0x62: {  	_ =	shalt  }
0x63: {  	_ =	shalt  }
0x64: {  	_ =	shalt  }
0x65: {  	_ =	shalt  }
0x66: {  	_ =	shalt  }
0x67: {  	_ =	shalt  }
0x68: {  	_ =	shalt  }
0x69: {  	_ =	shalt  }
0x6a: {  	_ =	shalt  }
0x6b: {  	_ =	shalt  }
0x6c: {  	_ =	shalt  }
0x6d: {  	_ =	shalt  }
0x6e: {  	_ =	shalt  }
0x6f: {  	_ =	shalt  }
0x70: {  	_ =	shalt  }
0x71: {  	_ =	shalt  }
0x72: {  	_ =	shalt  }
0x73: {  	_ =	shalt  }
0x74: {  	_ =	shalt  }
0x75: {  	_ =	shalt  }
0x76: {  	_ =	shalt  }
0x77: {  	_ =	shalt  }
0x78: {  	_ =	shalt  }
0x79: {  	_ =	shalt  }
0x7a: {  	_ =	shalt  }
0x7b: {  	_ =	shalt  }
0x7c: {  	_ =	shalt  }
0x7d: {  	_ =	shalt  }
0x7e: {  	_ =	shalt  }
0x7f: {  	_ =	shalt  }
0x80: {  	_ =	shalt  }
0x81: {  	_ =	shalt  }
0x82: {  	_ =	shalt  }
0x83: {  	_ =	shalt  }
0x84: {  	_ =	shalt  }
0x85: {  	_ =	shalt  }
0x86: {  	_ =	shalt  }
0x87: {  	_ =	shalt  }
.Lfunc_end0:
.L_simem_size_0:
called_computation_lowered:
.L_overlay_start_0:
0x88: {  	s0 =	sld [smem:$0x3FD9]  }
0x89: {  	s1 =	sld [smem:$0x3FFE];
	_ =	sdelay $0x3  }
0x8a: {  	s0 =	sadd.s32 s1, s0  }
0x8b: {  	[smem:$0x3FC0] =	sst s0  }
0x8c: {  	_ = 	snop  }
0x8d: {  	s0 =	sld [smem:$0x3FC8]  }
0x8e: {  	s17 =	sld [smem:$0x3FD0];
	(tm) =	ssettm $0x1  }
0x8f: {  	s2 =	sld [smem:$0x3FFB];
	_ =	sdelay $0x3  }
0x90: {  	_ =	strace s2  }
0x91: {  	s2 =	sld [smem:$0x3FFC];
	_ =	sdelay $0x3  }
0x92: {  	_ =	strace s2  }
0x93: {  	s2 =	sld [smem:$0x3FFD];
	_ =	sdelay $0x3  }
0x94: {  	_ =	strace s2  }
0x95: {  	_ =	strace $0x8FFFFFFF  }
0x96: {  	s18 =	sld [smem:$0x3FDB];
	_ =	sdelay $0x1  }
0x97: {  	s3 =	simm.s32 $_scs_section_size  }
0x98: {  	s4 =	simm.s32 $_size__tile_overlayer_lowered;
	s5 =	simm.s32 $_tile_overlayer_lowered  }
0x99: {  	s21 =	simm.s32 $0x1BFF;
	s20 =	sshll.u32 s5, $0x1;
	s2 =	sadd.s32 s3, s18  }
0x9a: {  	s6 =	simm.s32 $0x0;
	s19 =	sshll.u32 s4, $0x1;
	s4 =	sadd.s32 s20, s2  }
0x9b: {  	[timem:s6], [sflag:s21] =	dma.local [hbm:s4], s19  }
0x9c: {  	_ =	swait.ge [sflag:s21], s19  }
0x9d: {  	s3 =	ssub.s32 $0x0, s19;
	[sflag:s21] =	ssyncset.done $0x0  }
0x9e: {  	[sflag:s21] =	ssyncadd.s32 s3;
	_ =	sdelay $0x1  }
0x9f: {  	s22 =	simm.s32 $0x1B8B  }
0xa0: {  	_ =	swait.ge [sflag:s22], $0x1  }
0xa1: {  	[sflag:s22] =	ssyncset.done $0x0  }
0xa2: {  	s23 =	simm.s32 $0x1B8E;
	[sflag:s22] =	ssyncadd.s32 $0xFFFFFFFF  }
0xa3: {  	s24 =	simm.s32 $execute0_lowered;
	[smem:$0x3FD2] =	sst s23  }
0xa4: {  	s3 =	sshll.u32 s24, $0x1;
	_ =	strace $0x80000046;
	[dreg:$0x1] =	wrdreg $0xFFFFFFFF  }
0xa5: {  	s25 =	simm.s32 $_size_execute0_lowered;
	s2 =	sadd.s32 s2, s3;
	[dreg:$0x0] =	wrdreg $0x0  }
0xa6: {  	s3 =	sshll.u32 s25, $0x1;
	[dreg:$0x2] =	wrdreg s2  }
0xa7: {  	[dreg:$0x3] =	wrdreg s3  }
0xa8: {  	[dreg:$0x4] =	wrdreg $0xC0  }
0xa9: {  	_ =	task [dreg:s6], $0x5FFFF  }
0xaa: {  	[dreg:$0x1] =	wrdreg $0xFFFFFFFF  }
0xab: {  	[dreg:$0x0] =	wrdreg $0x60  }
0xac: {  	[dreg:$0x2] =	wrdreg s0  }
0xad: {  	[dreg:$0x3] =	wrdreg s17  }
0xae: {  	[dreg:$0x4] =	wrdreg $0x9  }
0xaf: {  	_ =	task.clear_ibuf [dreg:s6], $0x5FFFF;
	_ =	strace $0x90000046  }
0xb0: {  	s26 =	simm.s32 $0x9;
	_ =	strace $0x80000048  }
0xb1: {  	_ =	swait.ge [sflag:s26], $0x1  }
0xb2: {  	[sflag:s26] =	ssyncadd.s32 $0xFFFFFFFF  }
0xb3: {  	_ =	strace $0x90000048  }
0xb4: {  	_ =	sfence  }
0xb5: {  	s28 =	sld [smem:$0x0];
	_ =	sdelay $0x1  }
0xb6: {  	s29 =	srdreg.scid  }
0xb7: {  	s30 =	sshll.u32 s29, $0xD;
	s31 =	sshrl.u32 s29, $0x2  }
0xb8: {  	s1 =	sand.u32 $0x1, s29;
	s2 =	sand.u32 $0x4000, s30;
	s0 =	sadd.s32 s31, s28  }
0xb9: {  	s1 =	sor.u32 s2, s1;
	s0 =	sshll.u32 s0, $0x11  }
0xba: {  	s0 =	sor.u32 s0, s1  }
0xbb: {  	s0 =	sadd.s32 $0x8F2B, s0  }
0xbc: {  	[sflag:s0] =	ssyncadd.remote.s32 $0x1  }
0xbd: {  	_ =	sfence.sel $0xFFFF  }
0xbe: {  	[dreg:$0x0] =	wrdreg $0xFFFFFFFF;
	(pc) =	sbr.abs _section_cstart, $3  }
0xbf: {  	[dreg:$0x1] =	wrdreg $0xFFFFFFFF  }
0xc0: {  	_ =	task.clear_ibuf [dreg:s6], $0x2FFFF;
	_ =	strace $0x9FFFFFFF  }
0xc1: {  	(tm) =	ssettm $0x7FFFFFFF  }
tec
execute0_lowered:
.L_overlay_start_1:
0x0: {  	(tag) =	ssettag $0x1  }
0x1: {  	s1 =	stileid.u32  }
0x2: {  	p0 =	sgt.u32 s1, $0x3  }
.Ltmp0:
0x3: {  	_ = 	snop;
	(pc) =	sbr.rel @p0 .LBB2_9-.Ltmp0, $4  }
0x4: {  	s3 =	rddreg [dreg:$0x0]  }
0x5: {  	s5 =	rddreg [dreg:$0x1];
	s2 =	simm.s32 $0x0  }
0x6: {  	[smem:$0x7FF] =	sst s2  }
0x7: {  	s0 =	rddreg [dreg:$0x2];
	_ =	strace $0x80000047  }
0x8: {  	v0 =	vimm.f32 $0.0e+00  }
0x9: {  	[tilespmem:$0x1000] =	vst v0  }
0xa: {  	[tilespmem:$0x1010] =	vst v0  }
0xb: {  	[tilespmem:$0x1020] =	vst v0  }
0xc: {  	[tilespmem:$0x1030] =	vst v0  }
0xd: {  	[tilespmem:$0x1040] =	vst v0  }
0xe: {  	[tilespmem:$0x1050] =	vst v0  }
0xf: {  	[tilespmem:$0x1060] =	vst v0  }
0x10: {  	[tilespmem:$0x1070] =	vst v0  }
0x11: {  	[tilespmem:$0x1080] =	vst v0  }
0x12: {  	[tilespmem:$0x1090] =	vst v0  }
0x13: {  	[tilespmem:$0x10A0] =	vst v0  }
0x14: {  	[tilespmem:$0x10B0] =	vst v0  }
0x15: {  	[tilespmem:$0x10C0] =	vst v0  }
0x16: {  	[tilespmem:$0x10D0] =	vst v0  }
0x17: {  	[tilespmem:$0x10E0] =	vst v0  }
0x18: {  	[tilespmem:$0x10F0] =	vst v0  }
0x19: {  	[tilespmem:$0x1100] =	vst v0  }
0x1a: {  	[tilespmem:$0x1110] =	vst v0  }
0x1b: {  	[tilespmem:$0x1120] =	vst v0  }
0x1c: {  	[tilespmem:$0x1130] =	vst v0  }
0x1d: {  	[tilespmem:$0x1140] =	vst v0  }
0x1e: {  	[tilespmem:$0x1150] =	vst v0  }
0x1f: {  	[tilespmem:$0x1160] =	vst v0  }
0x20: {  	[tilespmem:$0x1170] =	vst v0  }
0x21: {  	[tilespmem:$0x1180] =	vst v0  }
0x22: {  	[tilespmem:$0x1190] =	vst v0  }
0x23: {  	[tilespmem:$0x11A0] =	vst v0  }
0x24: {  	[tilespmem:$0x11B0] =	vst v0  }
0x25: {  	[tilespmem:$0x11C0] =	vst v0  }
0x26: {  	s4 =	sshll.u32 s1, $0xF;
	[tilespmem:$0x11D0] =	vst v0  }
0x27: {  	s6 =	sshll.u32 s1, $0x6;
	s7 =	simm.s32 $0x0;
	s4 =	sadd.s32 s3, s4;
	[tilespmem:$0x11E0] =	vst v0  }
0x28: {  	s3 =	sadd.s32 s5, s6;
	[tilespmem:$0x11F0] =	vst v0;
	s5 =	simm.s32 $0x1;
	v0 =	vimm.s32 $0x0;
	s6 =	simm.s32 $0x1000  }
.LBB2_2:
0x29: {  	s8 =	sshll.u32 s2, $0x9  }
0x2a: {  	s9 =	sadd.s32 s8, s4;
	s8 =	simm.s32 $0x0  }
0x2b: {  	[tilespmem:s8], [sflag:$0x1] =	stream.linear.gather [hbm4b:s9+s8], $0x1000, $0x38;
	[tilespmem:$0x1200] =	vst v63  }
0x2c: {  	_ =	swait.ge [sflag:s5], $0x1000  }
0x2d: {  	[sflag:s5] =	ssyncset.done $0x0  }
0x2e: {  	s9 =	simm.s32 $0x0;
	[sflag:s5] =	ssyncadd.s32 $0xFFFFF000  }
.LBB2_4:
0x2f: {  	s10 =	sshll.u32 s9, $0x7  }
0x30: {  	s11 =	sand.u32 $0xC00, s8;
	s10 =	sand.u32 $0x3FFFFF80, s10  }
0x31: {  	s12 =	sand.u32 $0x70, s8;
	s11 =	sadd.s32 s11, s10  }
0x32: {  	s11 =	sadd.s32 s12, s11  }
0x33: {  	v1 =	vld [tilespmem:s11+$0x0];
	_ =	sdelay $0x4  }
0x34: {  	vm0 =	vlt.f32 v1, $0.0e+00;
	vm1 =	vgt.f32 v1, $0.0e+00  }
0x35: {  	vm0 =	vmor vm1, vm0  }
0x36: {  	v2 =	vsel vm0, $0x1, v0  }
0x37: {  	(xrf0) =	vadd.scan.msk.s32 $0xffff, v2;
	_ =	sdelay $0x2  }
0x38: {  	v2 =	vmov s7  }
0x39: {  	v2 =	vadd.s32 $0xFFFFFFFF, v2  }
0x3a: {  	v2 =	vbroadcast v2, $0x0  }
0x3b: {  	v3, _, _ =	vpop (xrf0)  }
0x3c: {  	v2 =	vadd.s32 v3, v2;
	(v2sf) =	vpush v3, $0xF  }
0x3d: {  	vm1 =	vlt.s32 v2, $0x200  }
0x3e: {  	vm0 =	vmand vm0, vm1;
	_ =	sdelay $0x2  }
0x3f: {  	s11 =	simm.s32 $0x80  }
0x40: {  	s13 =	simm.s32 $0x10;
	s12 =	simm.s32 $0x20;
	s14 =	sand.u32 $0xC00, s11  }
.LBB2_5:
0x41: {  	p0 =	seq.s32 s12, $0x1F0;
	s13 =	sand.u32 $0x70, s13;
	s14 =	sadd.s32 s14, s10  }
0x42: {  	s14 =	sadd.s32 s13, s14;
	[tilespmem:v2+s6+$0x0] =	vst.idx.msk vm0, v1;
	s13 =	smov.u32 s12  }
0x43: {  	v1 =	vld [tilespmem:s14+$0x0];
	_ =	sdelay $0x4  }
0x44: {  	vm0 =	vlt.f32 v1, $0.0e+00;
	vm1 =	vgt.f32 v1, $0.0e+00  }
0x45: {  	vm0 =	vmor vm1, vm0;
	s14 =	spop (v2sf)  }
0x46: {  	v2 =	vsel vm0, $0x1, v0;
	s7 =	sadd.s32 s7, s14  }
0x47: {  	v3 =	vmov s7;
	(xrf0) =	vadd.scan.msk.s32 $0xffff, v2  }
0x48: {  	v2 =	vadd.s32 $0xFFFFFFFF, v3  }
0x49: {  	v2 =	vbroadcast v2, $0x0;
	_ =	sdelay $0x3  }
0x4a: {  	v3, _, _ =	vpop (xrf0)  }
0x4b: {  	v2 =	vadd.s32 v3, v2;
	(v2sf) =	vpush v3, $0xF  }
0x4c: {  	vm1 =	vlt.s32 v2, $0x200  }
.Ltmp1:
0x4d: {  	vm0 =	vmand vm0, vm1;
	(pc) =	sbr.rel @!p0 .LBB2_5-.Ltmp1, $3  }
0x4e: {  	_ =	sdelay $0x1  }
0x4f: {  	s11 =	sadd.s32 $0x80, s11  }
0x50: {  	s12 =	sadd.s32 $0x10, s12;
	s14 =	sand.u32 $0xC00, s11  }
0x51: {  	_ =	sdelay $0x3  }
0x52: {  	s11 =	sand.u32 $0x70, s13;
	s10 =	sadd.s32 s14, s10  }
0x53: {  	[tilespmem:v2+s6+$0x0] =	vst.idx.msk vm0, v1;
	s10 =	sadd.s32 s11, s10  }
0x54: {  	v1 =	vld [tilespmem:s10+$0x0];
	_ =	sdelay $0x4  }
0x55: {  	vm14 =	vlt.f32 v1, $0.0e+00;
	vm1 =	vgt.f32 v1, $0.0e+00  }
0x56: {  	vm0 =	vmor vm1, vm14  }
0x57: {  	v2 =	vsel vm0, $0x1, v0  }
0x58: {  	(xrf0) =	vadd.scan.msk.s32 $0xffff, v2;
	_ =	sdelay $0x5  }
0x59: {  	v2, _, _ =	vpop (xrf0)  }
0x5a: {  	(v2sf) =	vpush v2, $0xF;
	_ =	sdelay $0x1  }
0x5b: {  	s30 =	spop (v2sf)  }
0x5c: {  	s7 =	sadd.s32 s7, s30  }
0x5d: {  	v3 =	vmov s7  }
0x5e: {  	v3 =	vadd.s32 $0xFFFFFFFF, v3  }
0x5f: {  	v3 =	vbroadcast v3, $0x0;
	_ =	sdelay $0x1  }
0x60: {  	v2 =	vadd.s32 v2, v3  }
0x61: {  	vm15 =	vlt.s32 v2, $0x200  }
0x62: {  	vm0 =	vmand vm0, vm15;
	_ =	sdelay $0x4  }
0x63: {  	s31 =	spop (v2sf)  }
0x64: {  	[tilespmem:v2+s6+$0x0] =	vst.idx.msk vm0, v1;
	s7 =	sadd.s32 s7, s31  }
0x65: {  	p0 =	sgt.u32 s9, $0x6  }
0x66: {  	p1 =	sgt.s32 @!p0 s7, $0x1FF  }
0x67: {  	p0 =	por p0, p1  }
.Ltmp2:
0x68: {  	_ = 	snop;
	(pc) =	sbr.rel @!p0 .LBB2_4-.Ltmp2, $2  }
0x69: {  	_ =	sdelay $0x2  }
0x6a: {  	s9 =	sadd.s32 $0x1, s9  }
0x6b: {  	p0 =	sgt.u32 s2, $0x3E  }
0x6c: {  	p1 =	slt.s32 @!p0 s7, $0x200  }
0x6d: {  	p0 =	por p0, !p1  }
.Ltmp3:
0x6e: {  	_ = 	snop;
	(pc) =	sbr.rel @!p0 .LBB2_2-.Ltmp3, $2  }
0x6f: {  	_ =	sdelay $0x2  }
0x70: {  	s2 =	sadd.s32 $0x1, s2  }
0x71: {  	s2 =	simm.s32 $0x0;
	s4 =	simm.s32 $0x1000;
	s31 =	simm.s32 $0x1  }
0x72: {  	[hbm4b:s3+s2] =	stream.linear.scatter [tilespmem:s4], [sflag:$0x1], $0x200, $0x38;
	[tilespmem:$0x1200] =	vst v63  }
0x73: {  	_ =	swait.ge [sflag:s31], $0x200  }
0x74: {  	[sflag:s31] =	ssyncset.done $0x0  }
0x75: {  	[sflag:s31] =	ssyncadd.s32 $0xFFFFFE00  }
.LBB2_9:
0x76: {  	_ =	sfence.sel $0x180000  }
0x77: {  	[bflag:$0x0] =	sbarrier.arrive $0xFFFF  }
0x78: {  	p0 =	sne.s32 s1, $0x0;
	_ =	strace $0x90000047  }
0x79: {  	s0 =	sadd.s32 @!p0 $0x100000, s0;
	[bflag:$0x2] =	sbarrier.arrive $0xFFFF  }
0x7a: {  	[sflag:s0] =	ssyncadd.tile.s32 @!p0 $0x1;
	_ =	shalt  }
.Lfunc_end2:
_tile_overlayer_lowered:
.L_overlay_start_2:
0x7b: {  	(tag) =	ssettag $0x2  }
0x7c: {  	s0 =	rddreg [dreg:$0x0];
	s2 =	stileid.u32  }
0x7d: {  	s1 =	rddreg [dreg:$0x1];
	p0 =	sne.s32 s2, $0x0  }
0x7e: {  	s3 =	rddreg [dreg:$0x2];
	[bflag:$0x3] =	sbarrier.arrive $0xFFFF;
	s2 =	simm.s32 @!p0 $0x1C01  }
0x7f: {  	[timem:s3], [sflag:s2] =	dma.local @!p0 [hbm:s0], s1  }
0x80: {  	s0 =	simm.s32 @!p0 $0x1  }
0x81: {  	_ =	swait.ge @!p0 [sflag:s0], s1  }
0x82: {  	s1 =	ssub.s32 @!p0 $0x0, s1;
	[sflag:s0] =	ssyncset.done @!p0 $0x0  }
0x83: {  	[sflag:s0] =	ssyncadd.s32 @!p0 s1  }
0x84: {  	[bflag:$0x3] =	sbarrier.arrive $0xFFFF  }
0x85: {  	_ =	shalt  }

</sc_bundles>
